<compile_context>
chip_gen: v7x
topology: tpu7x:2x2x1
jax: 0.10.2.dev20260603
libtpu: 0.0.44.dev20260713+nightly
codegen_flags: <defaults>
</compile_context>

<pallas_src>
import jax
import jax.numpy as jnp
from jax import lax
from jax.experimental import pallas as pl
from jax.experimental.pallas import tpu as pltpu
from jax.experimental.pallas import tpu_sc as plsc

_CONTEXT_WINDOW = 4096


def _emb_gather_sc(emb_hbm, tok_hbm, out_hbm, tok_s, row_sh, sem):
    cid = lax.axis_index("c")

    @pl.when(cid == 0)
    def _():
        pltpu.sync_copy(tok_hbm, tok_s)
        t = tok_s[0]
        pltpu.async_copy(emb_hbm.at[pl.ds(t, 1)], row_sh, sem).wait()
        pltpu.sync_copy(row_sh, out_hbm.at[pl.ds(0, 1)])


def _emb_row_sc(emb, token, d):
    tok1 = jnp.full((1,), token, jnp.int32)
    mesh = plsc.ScalarSubcoreMesh(axis_name="c", num_cores=2)
    return pl.kernel(
        _emb_gather_sc,
        out_type=jax.ShapeDtypeStruct((8, d), emb.dtype),
        mesh=mesh,
        scratch_types=[
            pltpu.SMEM((1,), jnp.int32),
            pltpu.VMEM_SHARED((1, d), emb.dtype),
            pltpu.SemaphoreType.DMA,
        ],
    )(emb, tok1)


def _shift_copy_kernel(idea_ref, out_ref, carry_ref):
    r = idea_ref.shape[1]
    out_ref[0, 0:r - 1, :] = idea_ref[0, 1:r, :]
    out_ref[0, r - 1:r, :] = carry_ref[...]
    carry_ref[...] = idea_ref[0, 0:1, :]


def _combine_kernel(row_ref, out0_ref, out_ref, tail_v, sem, *, b, l):
    del out0_ref
    for bb in range(b):
        pltpu.make_async_copy(
            out_ref.at[bb, pl.ds(l - 8, 8)], tail_v, sem).start()
        pltpu.make_async_copy(
            out_ref.at[bb, pl.ds(l - 8, 8)], tail_v, sem).wait()
        tail_v[7:8, :] = row_ref[0:1, :]
        pltpu.make_async_copy(
            tail_v, out_ref.at[bb, pl.ds(l - 8, 8)], sem).start()
        pltpu.make_async_copy(
            tail_v, out_ref.at[bb, pl.ds(l - 8, 8)], sem).wait()


def kernel(idea, token, emb):
    import functools

    b, l, d = idea.shape
    lout = min(_CONTEXT_WINDOW, l + 1)
    if lout == l + 1:
        idea = jnp.concatenate([jnp.zeros((b, 1, d), idea.dtype), idea], axis=1)
        l = lout
    r = 1024 if l % 1024 == 0 else l
    nb = l // r
    emb_row = _emb_row_sc(emb, token, d)
    out0 = pl.pallas_call(
        _shift_copy_kernel,
        grid=(b, nb),
        in_specs=[pl.BlockSpec((1, r, d), lambda bb, j: (bb, nb - 1 - j, 0))],
        out_specs=pl.BlockSpec((1, r, d), lambda bb, j: (bb, nb - 1 - j, 0)),
        scratch_shapes=[pltpu.VMEM((1, d), idea.dtype)],
        out_shape=jax.ShapeDtypeStruct((b, l, d), idea.dtype),
        compiler_params=pltpu.CompilerParams(
            dimension_semantics=("parallel", "arbitrary"),
            vmem_limit_bytes=100 * 1024 * 1024,
        ),
    )(idea)
    out = pl.pallas_call(
        functools.partial(_combine_kernel, b=b, l=l),
        in_specs=[
            pl.BlockSpec(memory_space=pltpu.MemorySpace.VMEM),
            pl.BlockSpec(memory_space=pl.ANY),
        ],
        out_specs=pl.BlockSpec(memory_space=pl.ANY),
        scratch_shapes=[pltpu.VMEM((8, d), idea.dtype),
                        pltpu.SemaphoreType.DMA],
        out_shape=jax.ShapeDtypeStruct((b, l, d), idea.dtype),
        input_output_aliases={1: 0},
    )(emb_row, out0)
    return out

# --- scband reference (transcript-rebuilt; emitter-appended) ---
"""Pipeline reference for scband-loopback-57174604645078 (READ-ONLY COPY).

The authoritative reference and input builder live on the scoring server;
editing this copy changes nothing except your own understanding.
"""

import jax, jax.numpy as jnp
import numpy as np

VOCAB_SIZE = 32000
CONTEXT_WINDOW = 4096


def setup_inputs(seed: int = 0) -> dict:
    key = jax.random.key(seed)
    k1, k2 = jax.random.split(key)
    idea = jax.random.normal(k1, (4, 4096, 2048), dtype=jnp.float32)
    emb = jax.random.normal(k2, (VOCAB_SIZE, 2048), dtype=jnp.float32) * 0.02
    token = 12345
    return {"idea": idea, "token": token, "emb": emb}


def reference(idea, token, emb):
    # torch: token = torch.tensor([token]); embedded_token = self.emb(token)
    tok = jnp.asarray([token], dtype=jnp.int32)
    embedded_token = jnp.take(emb, tok, axis=0)  # [1, d]
    b, l, d = idea.shape
    # unsqueeze(0).expand(b, 1, d)
    embedded_token = jnp.broadcast_to(embedded_token[None, :, :], (b, 1, d))
    max_len = min(CONTEXT_WINDOW, l + 1)
    out = jnp.concatenate([idea, embedded_token], axis=1)[:, -max_len:, :]
    return out

if __name__ == "__main__":
    import jax
    _d = setup_inputs()
    print(jax.jit(kernel)(*tuple(_d.values())))

</pallas_src>

<mosaic_0001>
#map = affine_map<(d0) -> (0, 0)>
#map1 = affine_map<(d0) -> (0)>
module attributes {stable_mosaic.version = 14 : i64} {
  func.func @_emb_gather_sc(%arg0: i32, %arg1: memref<32000x2048xf32, #tpu.memory_space<hbm>>, %arg2: memref<1xi32, #tpu.memory_space<hbm>>, %arg3: memref<8x2048xf32, #tpu.memory_space<hbm>>, %arg4: memref<1xi32, #tpu.memory_space<smem>>, %arg5: memref<1x2048xf32, #tpu.memory_space<vmem_shared>>, %arg6: memref<!tpu.dma_semaphore, #tpu.memory_space<semaphore_mem>>) attributes {dimension_semantics = [#tpu.dimension_semantics<core_parallel>], iteration_bounds = array<i64: 2>, scalar_prefetch = 0 : i64, scratch_operands = 3 : i64, tpu.core_type = #tpu.core_type<sc_scalar_subcore>, window_params = [{transform_indices = #map}, {transform_indices = #map1}, {transform_indices = #map}]} {
    %eq3A = arith.constant 0 : i32
    %eq3A_0 = arith.cmpi eq, %arg0, %eq3A : i32
    %convert_element_type3A = arith.extui %eq3A_0 : i1 to i32
    %cond3A = arith.constant 0 : i32
    %cond3A_1 = arith.cmpi ne, %convert_element_type3A, %cond3A : i32
    scf.if %cond3A_1 {
      "tpu.region"() ({
        %run_scoped3A = tpu.sem_alloc : memref<!tpu.dma_semaphore, #tpu.memory_space<semaphore_mem>>
        tpu.enqueue_dma source(%arg2 : memref<1xi32, #tpu.memory_space<hbm>>) target(%arg4 : memref<1xi32, #tpu.memory_space<smem>>) target_semaphore(%run_scoped3A : memref<!tpu.dma_semaphore, #tpu.memory_space<semaphore_mem>>)
        tpu.wait_dma2 semaphore(%run_scoped3A : memref<!tpu.dma_semaphore, #tpu.memory_space<semaphore_mem>>) src(%arg2 : memref<1xi32, #tpu.memory_space<hbm>>) dst(%arg4 : memref<1xi32, #tpu.memory_space<smem>>)
        tpu.yield
      }) : () -> ()
      %get3A = arith.constant 0 : i32
      %get3A_2 = arith.index_cast %get3A : i32 to index
      %get3A_3 = memref.load %arg4[%get3A_2] : memref<1xi32, #tpu.memory_space<smem>>
      %dma_start3A = arith.constant 0 : i32
      %dma_start3A_4 = tpu.memref_slice %arg1[%get3A_3, %dma_start3A] : memref<32000x2048xf32, #tpu.memory_space<hbm>> -> memref<1x2048xf32, #tpu.memory_space<hbm>>
      tpu.enqueue_dma source(%dma_start3A_4 : memref<1x2048xf32, #tpu.memory_space<hbm>>) target(%arg5 : memref<1x2048xf32, #tpu.memory_space<vmem_shared>>) target_semaphore(%arg6 : memref<!tpu.dma_semaphore, #tpu.memory_space<semaphore_mem>>)
      %dma_wait3A = arith.constant 0 : i32
      %dma_wait3A_5 = tpu.memref_slice %arg1[%get3A_3, %dma_wait3A] : memref<32000x2048xf32, #tpu.memory_space<hbm>> -> memref<1x2048xf32, #tpu.memory_space<hbm>>
      tpu.wait_dma2 semaphore(%arg6 : memref<!tpu.dma_semaphore, #tpu.memory_space<semaphore_mem>>) src(%dma_wait3A_5 : memref<1x2048xf32, #tpu.memory_space<hbm>>) dst(%arg5 : memref<1x2048xf32, #tpu.memory_space<vmem_shared>>)
      "tpu.region"() ({
        %run_scoped3A = tpu.sem_alloc : memref<!tpu.dma_semaphore, #tpu.memory_space<semaphore_mem>>
        %dma_start3A_6 = arith.constant 0 : i32
        %dma_start3A_7 = arith.constant 0 : i32
        %dma_start3A_8 = tpu.memref_slice %arg3[%dma_start3A_6, %dma_start3A_7] : memref<8x2048xf32, #tpu.memory_space<hbm>> -> memref<1x2048xf32, #tpu.memory_space<hbm>>
        tpu.enqueue_dma source(%arg5 : memref<1x2048xf32, #tpu.memory_space<vmem_shared>>) target(%dma_start3A_8 : memref<1x2048xf32, #tpu.memory_space<hbm>>) target_semaphore(%run_scoped3A : memref<!tpu.dma_semaphore, #tpu.memory_space<semaphore_mem>>)
        %dma_wait3A_9 = arith.constant 0 : i32
        %dma_wait3A_10 = arith.constant 0 : i32
        %dma_wait3A_11 = tpu.memref_slice %arg3[%dma_wait3A_9, %dma_wait3A_10] : memref<8x2048xf32, #tpu.memory_space<hbm>> -> memref<1x2048xf32, #tpu.memory_space<hbm>>
        tpu.wait_dma2 semaphore(%run_scoped3A : memref<!tpu.dma_semaphore, #tpu.memory_space<semaphore_mem>>) src(%arg5 : memref<1x2048xf32, #tpu.memory_space<vmem_shared>>) dst(%dma_wait3A_11 : memref<1x2048xf32, #tpu.memory_space<hbm>>)
        tpu.yield
      }) : () -> ()
    } else {
    }
    return
  }
}

module attributes {stable_mosaic.version = 14 : i64} {
  func.func @_combine_kernel(%arg0: memref<8x2048xf32, #tpu.memory_space<vmem>>, %arg1: memref<4x4096x2048xf32, #tpu.memory_space<any>>, %arg2: memref<4x4096x2048xf32, #tpu.memory_space<any>>, %arg3: memref<8x2048xf32, #tpu.memory_space<vmem>>, %arg4: memref<!tpu.dma_semaphore, #tpu.memory_space<semaphore_mem>>) attributes {dimension_semantics = [], scalar_prefetch = 0 : i64, scratch_operands = 2 : i64, tpu.core_type = #tpu.core_type<tc>} {
    %dma_start3A = arith.constant 0 : i32
    %dma_start3A_0 = arith.constant 4088 : i32
    %dma_start3A_1 = arith.constant 0 : i32
    %dma_start3A_2 = tpu.memref_slice %arg2[%dma_start3A, %dma_start3A_0, %dma_start3A_1] : memref<4x4096x2048xf32, #tpu.memory_space<any>> -> memref<1x8x2048xf32, #tpu.memory_space<any>>
    %dma_start3A_3 = tpu.memref_squeeze %dma_start3A_2 : memref<1x8x2048xf32, #tpu.memory_space<any>> -> memref<8x2048xf32, #tpu.memory_space<any>>
    tpu.enqueue_dma source(%dma_start3A_3 : memref<8x2048xf32, #tpu.memory_space<any>>) target(%arg3 : memref<8x2048xf32, #tpu.memory_space<vmem>>) target_semaphore(%arg4 : memref<!tpu.dma_semaphore, #tpu.memory_space<semaphore_mem>>)
    %dma_wait3A = arith.constant 0 : i32
    %dma_wait3A_4 = arith.constant 4088 : i32
    %dma_wait3A_5 = arith.constant 0 : i32
    %dma_wait3A_6 = tpu.memref_slice %arg2[%dma_wait3A, %dma_wait3A_4, %dma_wait3A_5] : memref<4x4096x2048xf32, #tpu.memory_space<any>> -> memref<1x8x2048xf32, #tpu.memory_space<any>>
    %dma_wait3A_7 = tpu.memref_squeeze %dma_wait3A_6 : memref<1x8x2048xf32, #tpu.memory_space<any>> -> memref<8x2048xf32, #tpu.memory_space<any>>
    tpu.wait_dma2 semaphore(%arg4 : memref<!tpu.dma_semaphore, #tpu.memory_space<semaphore_mem>>) src(%dma_wait3A_7 : memref<8x2048xf32, #tpu.memory_space<any>>) dst(%arg3 : memref<8x2048xf32, #tpu.memory_space<vmem>>)
    %get3A = arith.constant 0 : index
    %get3A_8 = arith.constant 0 : index
    %get3A_9 = vector.load %arg0[%get3A, %get3A_8] : memref<8x2048xf32, #tpu.memory_space<vmem>>, vector<1x2048xf32>
    %swap3A = arith.constant 7 : index
    %swap3A_10 = arith.constant 0 : index
    %swap3A_11 = vector.load %arg3[%swap3A, %swap3A_10] : memref<8x2048xf32, #tpu.memory_space<vmem>>, vector<1x2048xf32>
    tpu.vector_store %arg3[%swap3A, %swap3A_10], %get3A_9 {strides = array<i32>} : memref<8x2048xf32, #tpu.memory_space<vmem>>, vector<1x2048xf32>,
    %dma_start3A_12 = arith.constant 0 : i32
    %dma_start3A_13 = arith.constant 4088 : i32
    %dma_start3A_14 = arith.constant 0 : i32
    %dma_start3A_15 = tpu.memref_slice %arg2[%dma_start3A_12, %dma_start3A_13, %dma_start3A_14] : memref<4x4096x2048xf32, #tpu.memory_space<any>> -> memref<1x8x2048xf32, #tpu.memory_space<any>>
    %dma_start3A_16 = tpu.memref_squeeze %dma_start3A_15 : memref<1x8x2048xf32, #tpu.memory_space<any>> -> memref<8x2048xf32, #tpu.memory_space<any>>
    tpu.enqueue_dma source(%arg3 : memref<8x2048xf32, #tpu.memory_space<vmem>>) target(%dma_start3A_16 : memref<8x2048xf32, #tpu.memory_space<any>>) target_semaphore(%arg4 : memref<!tpu.dma_semaphore, #tpu.memory_space<semaphore_mem>>)
    %dma_wait3A_17 = arith.constant 0 : i32
    %dma_wait3A_18 = arith.constant 4088 : i32
    %dma_wait3A_19 = arith.constant 0 : i32
    %dma_wait3A_20 = tpu.memref_slice %arg2[%dma_wait3A_17, %dma_wait3A_18, %dma_wait3A_19] : memref<4x4096x2048xf32, #tpu.memory_space<any>> -> memref<1x8x2048xf32, #tpu.memory_space<any>>
    %dma_wait3A_21 = tpu.memref_squeeze %dma_wait3A_20 : memref<1x8x2048xf32, #tpu.memory_space<any>> -> memref<8x2048xf32, #tpu.memory_space<any>>
    tpu.wait_dma2 semaphore(%arg4 : memref<!tpu.dma_semaphore, #tpu.memory_space<semaphore_mem>>) src(%arg3 : memref<8x2048xf32, #tpu.memory_space<vmem>>) dst(%dma_wait3A_21 : memref<8x2048xf32, #tpu.memory_space<any>>)
    %dma_start3A_22 = arith.constant 1 : i32
    %dma_start3A_23 = arith.constant 4088 : i32
    %dma_start3A_24 = arith.constant 0 : i32
    %dma_start3A_25 = tpu.memref_slice %arg2[%dma_start3A_22, %dma_start3A_23, %dma_start3A_24] : memref<4x4096x2048xf32, #tpu.memory_space<any>> -> memref<1x8x2048xf32, #tpu.memory_space<any>>
    %dma_start3A_26 = tpu.memref_squeeze %dma_start3A_25 : memref<1x8x2048xf32, #tpu.memory_space<any>> -> memref<8x2048xf32, #tpu.memory_space<any>>
    tpu.enqueue_dma source(%dma_start3A_26 : memref<8x2048xf32, #tpu.memory_space<any>>) target(%arg3 : memref<8x2048xf32, #tpu.memory_space<vmem>>) target_semaphore(%arg4 : memref<!tpu.dma_semaphore, #tpu.memory_space<semaphore_mem>>)
    %dma_wait3A_27 = arith.constant 1 : i32
    %dma_wait3A_28 = arith.constant 4088 : i32
    %dma_wait3A_29 = arith.constant 0 : i32
    %dma_wait3A_30 = tpu.memref_slice %arg2[%dma_wait3A_27, %dma_wait3A_28, %dma_wait3A_29] : memref<4x4096x2048xf32, #tpu.memory_space<any>> -> memref<1x8x2048xf32, #tpu.memory_space<any>>
    %dma_wait3A_31 = tpu.memref_squeeze %dma_wait3A_30 : memref<1x8x2048xf32, #tpu.memory_space<any>> -> memref<8x2048xf32, #tpu.memory_space<any>>
    tpu.wait_dma2 semaphore(%arg4 : memref<!tpu.dma_semaphore, #tpu.memory_space<semaphore_mem>>) src(%dma_wait3A_31 : memref<8x2048xf32, #tpu.memory_space<any>>) dst(%arg3 : memref<8x2048xf32, #tpu.memory_space<vmem>>)
    %get3A_32 = arith.constant 0 : index
    %get3A_33 = arith.constant 0 : index
    %get3A_34 = vector.load %arg0[%get3A_32, %get3A_33] : memref<8x2048xf32, #tpu.memory_space<vmem>>, vector<1x2048xf32>
    %swap3A_35 = arith.constant 7 : index
    %swap3A_36 = arith.constant 0 : index
    %swap3A_37 = vector.load %arg3[%swap3A_35, %swap3A_36] : memref<8x2048xf32, #tpu.memory_space<vmem>>, vector<1x2048xf32>
    tpu.vector_store %arg3[%swap3A_35, %swap3A_36], %get3A_34 {strides = array<i32>} : memref<8x2048xf32, #tpu.memory_space<vmem>>, vector<1x2048xf32>,
    %dma_start3A_38 = arith.constant 1 : i32
    %dma_start3A_39 = arith.constant 4088 : i32
    %dma_start3A_40 = arith.constant 0 : i32
    %dma_start3A_41 = tpu.memref_slice %arg2[%dma_start3A_38, %dma_start3A_39, %dma_start3A_40] : memref<4x4096x2048xf32, #tpu.memory_space<any>> -> memref<1x8x2048xf32, #tpu.memory_space<any>>
    %dma_start3A_42 = tpu.memref_squeeze %dma_start3A_41 : memref<1x8x2048xf32, #tpu.memory_space<any>> -> memref<8x2048xf32, #tpu.memory_space<any>>
    tpu.enqueue_dma source(%arg3 : memref<8x2048xf32, #tpu.memory_space<vmem>>) target(%dma_start3A_42 : memref<8x2048xf32, #tpu.memory_space<any>>) target_semaphore(%arg4 : memref<!tpu.dma_semaphore, #tpu.memory_space<semaphore_mem>>)
    %dma_wait3A_43 = arith.constant 1 : i32
    %dma_wait3A_44 = arith.constant 4088 : i32
    %dma_wait3A_45 = arith.constant 0 : i32
    %dma_wait3A_46 = tpu.memref_slice %arg2[%dma_wait3A_43, %dma_wait3A_44, %dma_wait3A_45] : memref<4x4096x2048xf32, #tpu.memory_space<any>> -> memref<1x8x2048xf32, #tpu.memory_space<any>>
    %dma_wait3A_47 = tpu.memref_squeeze %dma_wait3A_46 : memref<1x8x2048xf32, #tpu.memory_space<any>> -> memref<8x2048xf32, #tpu.memory_space<any>>
    tpu.wait_dma2 semaphore(%arg4 : memref<!tpu.dma_semaphore, #tpu.memory_space<semaphore_mem>>) src(%arg3 : memref<8x2048xf32, #tpu.memory_space<vmem>>) dst(%dma_wait3A_47 : memref<8x2048xf32, #tpu.memory_space<any>>)
    %dma_start3A_48 = arith.constant 2 : i32
    %dma_start3A_49 = arith.constant 4088 : i32
    %dma_start3A_50 = arith.constant 0 : i32
    %dma_start3A_51 = tpu.memref_slice %arg2[%dma_start3A_48, %dma_start3A_49, %dma_start3A_50] : memref<4x4096x2048xf32, #tpu.memory_space<any>> -> memref<1x8x2048xf32, #tpu.memory_space<any>>
    %dma_start3A_52 = tpu.memref_squeeze %dma_start3A_51 : memref<1x8x2048xf32, #tpu.memory_space<any>> -> memref<8x2048xf32, #tpu.memory_space<any>>
    tpu.enqueue_dma source(%dma_start3A_52 : memref<8x2048xf32, #tpu.memory_space<any>>) target(%arg3 : memref<8x2048xf32, #tpu.memory_space<vmem>>) target_semaphore(%arg4 : memref<!tpu.dma_semaphore, #tpu.memory_space<semaphore_mem>>)
    %dma_wait3A_53 = arith.constant 2 : i32
    %dma_wait3A_54 = arith.constant 4088 : i32
    %dma_wait3A_55 = arith.constant 0 : i32
    %dma_wait3A_56 = tpu.memref_slice %arg2[%dma_wait3A_53, %dma_wait3A_54, %dma_wait3A_55] : memref<4x4096x2048xf32, #tpu.memory_space<any>> -> memref<1x8x2048xf32, #tpu.memory_space<any>>
    %dma_wait3A_57 = tpu.memref_squeeze %dma_wait3A_56 : memref<1x8x2048xf32, #tpu.memory_space<any>> -> memref<8x2048xf32, #tpu.memory_space<any>>
    tpu.wait_dma2 semaphore(%arg4 : memref<!tpu.dma_semaphore, #tpu.memory_space<semaphore_mem>>) src(%dma_wait3A_57 : memref<8x2048xf32, #tpu.memory_space<any>>) dst(%arg3 : memref<8x2048xf32, #tpu.memory_space<vmem>>)
    %get3A_58 = arith.constant 0 : index
    %get3A_59 = arith.constant 0 : index
    %get3A_60 = vector.load %arg0[%get3A_58, %get3A_59] : memref<8x2048xf32, #tpu.memory_space<vmem>>, vector<1x2048xf32>
    %swap3A_61 = arith.constant 7 : index
    %swap3A_62 = arith.constant 0 : index
    %swap3A_63 = vector.load %arg3[%swap3A_61, %swap3A_62] : memref<8x2048xf32, #tpu.memory_space<vmem>>, vector<1x2048xf32>
    tpu.vector_store %arg3[%swap3A_61, %swap3A_62], %get3A_60 {strides = array<i32>} : memref<8x2048xf32, #tpu.memory_space<vmem>>, vector<1x2048xf32>,
    %dma_start3A_64 = arith.constant 2 : i32
    %dma_start3A_65 = arith.constant 4088 : i32
    %dma_start3A_66 = arith.constant 0 : i32
    %dma_start3A_67 = tpu.memref_slice %arg2[%dma_start3A_64, %dma_start3A_65, %dma_start3A_66] : memref<4x4096x2048xf32, #tpu.memory_space<any>> -> memref<1x8x2048xf32, #tpu.memory_space<any>>
    %dma_start3A_68 = tpu.memref_squeeze %dma_start3A_67 : memref<1x8x2048xf32, #tpu.memory_space<any>> -> memref<8x2048xf32, #tpu.memory_space<any>>
    tpu.enqueue_dma source(%arg3 : memref<8x2048xf32, #tpu.memory_space<vmem>>) target(%dma_start3A_68 : memref<8x2048xf32, #tpu.memory_space<any>>) target_semaphore(%arg4 : memref<!tpu.dma_semaphore, #tpu.memory_space<semaphore_mem>>)
    %dma_wait3A_69 = arith.constant 2 : i32
    %dma_wait3A_70 = arith.constant 4088 : i32
    %dma_wait3A_71 = arith.constant 0 : i32
    %dma_wait3A_72 = tpu.memref_slice %arg2[%dma_wait3A_69, %dma_wait3A_70, %dma_wait3A_71] : memref<4x4096x2048xf32, #tpu.memory_space<any>> -> memref<1x8x2048xf32, #tpu.memory_space<any>>
    %dma_wait3A_73 = tpu.memref_squeeze %dma_wait3A_72 : memref<1x8x2048xf32, #tpu.memory_space<any>> -> memref<8x2048xf32, #tpu.memory_space<any>>
    tpu.wait_dma2 semaphore(%arg4 : memref<!tpu.dma_semaphore, #tpu.memory_space<semaphore_mem>>) src(%arg3 : memref<8x2048xf32, #tpu.memory_space<vmem>>) dst(%dma_wait3A_73 : memref<8x2048xf32, #tpu.memory_space<any>>)
    %dma_start3A_74 = arith.constant 3 : i32
    %dma_start3A_75 = arith.constant 4088 : i32
    %dma_start3A_76 = arith.constant 0 : i32
    %dma_start3A_77 = tpu.memref_slice %arg2[%dma_start3A_74, %dma_start3A_75, %dma_start3A_76] : memref<4x4096x2048xf32, #tpu.memory_space<any>> -> memref<1x8x2048xf32, #tpu.memory_space<any>>
    %dma_start3A_78 = tpu.memref_squeeze %dma_start3A_77 : memref<1x8x2048xf32, #tpu.memory_space<any>> -> memref<8x2048xf32, #tpu.memory_space<any>>
    tpu.enqueue_dma source(%dma_start3A_78 : memref<8x2048xf32, #tpu.memory_space<any>>) target(%arg3 : memref<8x2048xf32, #tpu.memory_space<vmem>>) target_semaphore(%arg4 : memref<!tpu.dma_semaphore, #tpu.memory_space<semaphore_mem>>)
    %dma_wait3A_79 = arith.constant 3 : i32
    %dma_wait3A_80 = arith.constant 4088 : i32
    %dma_wait3A_81 = arith.constant 0 : i32
    %dma_wait3A_82 = tpu.memref_slice %arg2[%dma_wait3A_79, %dma_wait3A_80, %dma_wait3A_81] : memref<4x4096x2048xf32, #tpu.memory_space<any>> -> memref<1x8x2048xf32, #tpu.memory_space<any>>
    %dma_wait3A_83 = tpu.memref_squeeze %dma_wait3A_82 : memref<1x8x2048xf32, #tpu.memory_space<any>> -> memref<8x2048xf32, #tpu.memory_space<any>>
    tpu.wait_dma2 semaphore(%arg4 : memref<!tpu.dma_semaphore, #tpu.memory_space<semaphore_mem>>) src(%dma_wait3A_83 : memref<8x2048xf32, #tpu.memory_space<any>>) dst(%arg3 : memref<8x2048xf32, #tpu.memory_space<vmem>>)
    %get3A_84 = arith.constant 0 : index
    %get3A_85 = arith.constant 0 : index
    %get3A_86 = vector.load %arg0[%get3A_84, %get3A_85] : memref<8x2048xf32, #tpu.memory_space<vmem>>, vector<1x2048xf32>
    %swap3A_87 = arith.constant 7 : index
    %swap3A_88 = arith.constant 0 : index
    %swap3A_89 = vector.load %arg3[%swap3A_87, %swap3A_88] : memref<8x2048xf32, #tpu.memory_space<vmem>>, vector<1x2048xf32>
    tpu.vector_store %arg3[%swap3A_87, %swap3A_88], %get3A_86 {strides = array<i32>} : memref<8x2048xf32, #tpu.memory_space<vmem>>, vector<1x2048xf32>,
    %dma_start3A_90 = arith.constant 3 : i32
    %dma_start3A_91 = arith.constant 4088 : i32
    %dma_start3A_92 = arith.constant 0 : i32
    %dma_start3A_93 = tpu.memref_slice %arg2[%dma_start3A_90, %dma_start3A_91, %dma_start3A_92] : memref<4x4096x2048xf32, #tpu.memory_space<any>> -> memref<1x8x2048xf32, #tpu.memory_space<any>>
    %dma_start3A_94 = tpu.memref_squeeze %dma_start3A_93 : memref<1x8x2048xf32, #tpu.memory_space<any>> -> memref<8x2048xf32, #tpu.memory_space<any>>
    tpu.enqueue_dma source(%arg3 : memref<8x2048xf32, #tpu.memory_space<vmem>>) target(%dma_start3A_94 : memref<8x2048xf32, #tpu.memory_space<any>>) target_semaphore(%arg4 : memref<!tpu.dma_semaphore, #tpu.memory_space<semaphore_mem>>)
    %dma_wait3A_95 = arith.constant 3 : i32
    %dma_wait3A_96 = arith.constant 4088 : i32
    %dma_wait3A_97 = arith.constant 0 : i32
    %dma_wait3A_98 = tpu.memref_slice %arg2[%dma_wait3A_95, %dma_wait3A_96, %dma_wait3A_97] : memref<4x4096x2048xf32, #tpu.memory_space<any>> -> memref<1x8x2048xf32, #tpu.memory_space<any>>
    %dma_wait3A_99 = tpu.memref_squeeze %dma_wait3A_98 : memref<1x8x2048xf32, #tpu.memory_space<any>> -> memref<8x2048xf32, #tpu.memory_space<any>>
    tpu.wait_dma2 semaphore(%arg4 : memref<!tpu.dma_semaphore, #tpu.memory_space<semaphore_mem>>) src(%arg3 : memref<8x2048xf32, #tpu.memory_space<vmem>>) dst(%dma_wait3A_99 : memref<8x2048xf32, #tpu.memory_space<any>>)
    return
  }
}

module attributes {stable_mosaic.version = 14 : i64} {
  func.func @_shift_copy_kernel(%arg0: i32, %arg1: i32, %arg2: memref<1x1024x2048xf32, #tpu.memory_space<vmem>>, %arg3: memref<1x1024x2048xf32, #tpu.memory_space<vmem>>, %arg4: memref<1x2048xf32, #tpu.memory_space<vmem>>) attributes {dimension_semantics = [#tpu.dimension_semantics<parallel>, #tpu.dimension_semantics<arbitrary>], iteration_bounds = array<i64: 4, 4>, scalar_prefetch = 0 : i64, scratch_operands = 1 : i64, tpu.core_type = #tpu.core_type<tc>, window_params = [{transform_indices = @transform_0, window_bounds = array<i64: 1, 1024, 2048>}, {transform_indices = @transform_1, window_bounds = array<i64: 1, 1024, 2048>}]} {
    %get3A = arith.constant 0 : index
    %get3A_0 = arith.constant 1 : index
    %get3A_1 = arith.constant 0 : index
    %get3A_2 = vector.load %arg2[%get3A, %get3A_0, %get3A_1] : memref<1x1024x2048xf32, #tpu.memory_space<vmem>>, vector<1x1023x2048xf32>
    %get3A_3 = vector.shape_cast %get3A_2 : vector<1x1023x2048xf32> to vector<1023x2048xf32>
    %swap3A = arith.constant 0 : index
    %swap3A_4 = arith.constant 0 : index
    %swap3A_5 = arith.constant 0 : index
    %swap3A_6 = vector.load %arg3[%swap3A, %swap3A_4, %swap3A_5] : memref<1x1024x2048xf32, #tpu.memory_space<vmem>>, vector<1x1023x2048xf32>
    %swap3A_7 = vector.shape_cast %swap3A_6 : vector<1x1023x2048xf32> to vector<1023x2048xf32>
    %swap3A_8 = vector.shape_cast %get3A_3 : vector<1023x2048xf32> to vector<1x1023x2048xf32>
    tpu.vector_store %arg3[%swap3A, %swap3A_4, %swap3A_5], %swap3A_8 {strides = array<i32>} : memref<1x1024x2048xf32, #tpu.memory_space<vmem>>, vector<1x1023x2048xf32>,
    %get3A_9 = arith.constant 0 : index
    %get3A_10 = arith.constant 0 : index
    %get3A_11 = vector.load %arg4[%get3A_9, %get3A_10] : memref<1x2048xf32, #tpu.memory_space<vmem>>, vector<1x2048xf32>
    %swap3A_12 = arith.constant 0 : index
    %swap3A_13 = arith.constant 1023 : index
    %swap3A_14 = arith.constant 0 : index
    %swap3A_15 = vector.load %arg3[%swap3A_12, %swap3A_13, %swap3A_14] : memref<1x1024x2048xf32, #tpu.memory_space<vmem>>, vector<1x1x2048xf32>
    %swap3A_16 = vector.shape_cast %swap3A_15 : vector<1x1x2048xf32> to vector<1x2048xf32>
    %swap3A_17 = vector.shape_cast %get3A_11 : vector<1x2048xf32> to vector<1x1x2048xf32>
    tpu.vector_store %arg3[%swap3A_12, %swap3A_13, %swap3A_14], %swap3A_17 {strides = array<i32>} : memref<1x1024x2048xf32, #tpu.memory_space<vmem>>, vector<1x1x2048xf32>,
    %get3A_18 = arith.constant 0 : index
    %get3A_19 = arith.constant 0 : index
    %get3A_20 = arith.constant 0 : index
    %get3A_21 = vector.load %arg2[%get3A_18, %get3A_19, %get3A_20] : memref<1x1024x2048xf32, #tpu.memory_space<vmem>>, vector<1x1x2048xf32>
    %get3A_22 = vector.shape_cast %get3A_21 : vector<1x1x2048xf32> to vector<1x2048xf32>
    %swap3A_23 = arith.constant 0 : index
    %swap3A_24 = arith.constant 0 : index
    %swap3A_25 = vector.load %arg4[%swap3A_23, %swap3A_24] : memref<1x2048xf32, #tpu.memory_space<vmem>>, vector<1x2048xf32>
    tpu.vector_store %arg4[%swap3A_23, %swap3A_24], %get3A_22 {strides = array<i32>} : memref<1x2048xf32, #tpu.memory_space<vmem>>, vector<1x2048xf32>,
    return
  }
  func.func @transform_0(%arg0: i32, %arg1: i32) -> (i32, i32, i32) {
    %sub3A = arith.constant 3 : i32
    %sub3A_0 = arith.subi %sub3A, %arg1 : i32
    %c0_i32 = arith.constant 0 : i32
    %c0_i32_1 = arith.constant 0 : i32
    return %arg0, %sub3A_0, %c0_i32 : i32, i32, i32
  }
  func.func @transform_1(%arg0: i32, %arg1: i32) -> (i32, i32, i32) {
    %sub3A = arith.constant 3 : i32
    %sub3A_0 = arith.subi %sub3A, %arg1 : i32
    %c0_i32 = arith.constant 0 : i32
    %c0_i32_1 = arith.constant 0 : i32
    return %arg0, %sub3A_0, %c0_i32 : i32, i32, i32
  }
}

</mosaic_0001>

<sc_bundles>
// kernel: kernel.5.cloned.1.call-start
scs
__scs_entry_jumppad:
0x0: {  	(pc) =	sbr.rel $0x88, $3  }
0x1: {  	(tag) =	ssettag $0x0;
	lr =	simm.s32 $0x1  }
0x2: {  	[smem:$0x3F9E] =	sst lr;
	_ =	strace $0xD0000000  }
0x3: {  	_ = 	snop  }
0x4: {  	_ = 	snop  }
0x5: {  	_ = 	snop  }
0x6: {  	_ = 	snop  }
0x7: {  	_ = 	snop  }
__scs_overlays_trampoline_lowered:
0x8: {  	[smem:$0x3FAD] =	sst s0  }
0x9: {  	[smem:$0x3FAE] =	sst s1  }
0xa: {  	[smem:$0x3FAF] =	sst s2  }
0xb: {  	[smem:$0x3FB0] =	sst s3  }
0xc: {  	[smem:$0x3FB1] =	sst s4  }
0xd: {  	[smem:$0x3FB2] =	sst s5  }
0xe: {  	[smem:$0x3FB3] =	sst s6  }
0xf: {  	[smem:$0x3FB4] =	sst s7  }
0x10: {  	[smem:$0x3FB5] =	sst s8  }
0x11: {  	[smem:$0x3FB6] =	sst s9;
	s0 =	simm.s32 @!p0 $0x0  }
0x12: {  	s1 =	sld [smem:$0x3F9C];
	s0 =	simm.s32 @p0 $0x1  }
0x13: {  	[smem:$0x3FB7] =	sst s0;
	s0 =	simm.s32 @!p1 $0x0  }
0x14: {  	s2 =	sld [smem:$0x3F9B];
	s0 =	simm.s32 @p1 $0x1  }
0x15: {  	[smem:$0x3FB8] =	sst s0;
	s0 =	simm.s32 @!p2 $0x0  }
0x16: {  	s3 =	sld [smem:$0x3FDB];
	s0 =	simm.s32 @p2 $0x1  }
0x17: {  	s4 =	simm.s32 $0x1BF5;
	[smem:$0x3FBA] =	sst s0  }
0x18: {  	s0 =	sld [smem:$0x3F9D];
	_ =	swait.ge [sflag:s4], $0x0  }
0x19: {  	s7 =	sld [smem:$0x3F9E]  }
0x1a: {  	s8 =	sadd.s32 $0xFFFFE003, lr  }
0x1b: {  	s9 =	sadd.s32 $0xFFFFFEF7, lr;
	s5 =	simm.s32 $0xFFFFFFFF;
	p2 =	slt.u32 s8, $0xFFFFF086  }
0x1c: {  	p1 =	slt.u32 s9, $0xF7A;
	s5 =	simm.s32 @!p2 $0x0  }
0x1d: {  	s5 =	simm.s32 @p1 $0x1;
	p0 =	seq.s32 s7, s2  }
0x1e: {  	s7 =	smul.u32 @!p0 $0xF7A, s2;
	p2 =	seq.s32 @!p0 s5, $0x0  }
0x1f: {  	s9 =	smul.u32 $0xF7A, s1;
	s8 =	simm.s32 @!p0 $0x1BF5;
	p2 =	por !p2, p0  }
0x20: {  	[sflag:s8] =	ssyncset.s32 @!p0 $0xFFFFF086;
	s6 =	sadd.s32 @!p0 s3, s7;
	s7 =	simm.s32 @!p0 $0x108  }
0x21: {  	s3 =	sadd.s32 s3, s9;
	s6 =	sadd.s32 @!p0 $0x88, s6;
	s7 =	simm.s32 @p2 $0x1082  }
0x22: {  	[simem:s7], [sflag:s8] =	dma.local @!p0 [hbm:s6], $0xF7A  }
0x23: {  	s9 =	sor.u32 $0xD0000000, s2;
	s6 =	simm.s32 $0x108;
	_ =	swait.ge @!p0 [sflag:s8], $0x0  }
0x24: {  	s3 =	sadd.s32 $0x88, s3;
	s6 =	simm.s32 @!p1 $0x1082;
	[sflag:s4] =	ssyncset.s32 $0xFFFFF086  }
0x25: {  	[simem:s6], [sflag:s4] =	dma.local [hbm:s3], $0xF7A  }
0x26: {  	[smem:$0x3F9E] =	sst s1;
	(tag) =	ssettag s2;
	_ =	strace s9  }
0x27: {  	s1 =	sld [smem:$0x3FAE]  }
0x28: {  	s2 =	sld [smem:$0x3FAF]  }
0x29: {  	s4 =	sld [smem:$0x3FB1]  }
0x2a: {  	p0 =	seq.s32 s5, $0x0;
	s5 =	sld [smem:$0x3FB2]  }
0x2b: {  	s6 =	sld [smem:$0x3FB3]  }
0x2c: {  	s7 =	sld [smem:$0x3FB4]  }
0x2d: {  	s3 =	simm.s32 $0x108;
	s8 =	sld [smem:$0x3FB5]  }
0x2e: {  	s3 =	simm.s32 @!p0 $0x1082;
	s9 =	sld [smem:$0x3FB6]  }
0x2f: {  	lr =	sadd.s32 s0, s3;
	s0 =	sld [smem:$0x3FAD]  }
0x30: {  	s3 =	sld [smem:$0x3FB0]  }
0x31: {  	[smem:$0x3FB9] =	sst s10  }
0x32: {  	s10 =	sld [smem:$0x3FB7];
	_ =	sdelay $0x3  }
0x33: {  	p0 =	seq.s32 s10, $0x1;
	s10 =	sld [smem:$0x3FB9];
	_ =	sdelay $0x3  }
0x34: {  	[smem:$0x3FB9] =	sst s10  }
0x35: {  	s10 =	sld [smem:$0x3FB8];
	_ =	sdelay $0x3  }
0x36: {  	p1 =	seq.s32 s10, $0x1;
	s10 =	sld [smem:$0x3FB9];
	_ =	sdelay $0x3  }
0x37: {  	[smem:$0x3FB9] =	sst s10  }
0x38: {  	s10 =	sld [smem:$0x3FBA]  }
0x39: {  	_ = 	snop;
	(pc) =	sbr.ind lr, $3  }
0x3a: {  	_ = 	snop  }
0x3b: {  	_ = 	snop  }
0x3c: {  	p2 =	seq.s32 s10, $0x1;
	s10 =	sld [smem:$0x3FB9]  }
0x3d: {  	_ =	shalt  }
0x3e: {  	_ =	shalt  }
0x3f: {  	_ =	shalt  }
0x40: {  	_ =	shalt  }
0x41: {  	_ =	shalt  }
0x42: {  	_ =	shalt  }
0x43: {  	_ =	shalt  }
0x44: {  	_ =	shalt  }
0x45: {  	_ =	shalt  }
0x46: {  	_ =	shalt  }
0x47: {  	_ =	shalt  }
0x48: {  	_ =	shalt  }
0x49: {  	_ =	shalt  }
0x4a: {  	_ =	shalt  }
0x4b: {  	_ =	shalt  }
0x4c: {  	_ =	shalt  }
0x4d: {  	_ =	shalt  }
0x4e: {  	_ =	shalt  }
0x4f: {  	_ =	shalt  }
0x50: {  	_ =	shalt  }
0x51: {  	_ =	shalt  }
0x52: {  	_ =	shalt  }
0x53: {  	_ =	shalt  }
0x54: {  	_ =	shalt  }
0x55: {  	_ =	shalt  }
0x56: {  	_ =	shalt  }
0x57: {  	_ =	shalt  }
0x58: {  	_ =	shalt  }
0x59: {  	_ =	shalt  }
0x5a: {  	_ =	shalt  }
0x5b: {  	_ =	shalt  }
0x5c: {  	_ =	shalt  }
0x5d: {  	_ =	shalt  }
0x5e: {  	_ =	shalt  }
0x5f: {  	_ =	shalt  }
0x60: {  	_ =	shalt  }
0x61: {  	_ =	shalt  }
0x62: {  	_ =	shalt  }
0x63: {  	_ =	shalt  }
0x64: {  	_ =	shalt  }
0x65: {  	_ =	shalt  }
0x66: {  	_ =	shalt  }
0x67: {  	_ =	shalt  }
0x68: {  	_ =	shalt  }
0x69: {  	_ =	shalt  }
0x6a: {  	_ =	shalt  }
0x6b: {  	_ =	shalt  }
0x6c: {  	_ =	shalt  }
0x6d: {  	_ =	shalt  }
0x6e: {  	_ =	shalt  }
0x6f: {  	_ =	shalt  }
0x70: {  	_ =	shalt  }
0x71: {  	_ =	shalt  }
0x72: {  	_ =	shalt  }
0x73: {  	_ =	shalt  }
0x74: {  	_ =	shalt  }
0x75: {  	_ =	shalt  }
0x76: {  	_ =	shalt  }
0x77: {  	_ =	shalt  }
0x78: {  	_ =	shalt  }
0x79: {  	_ =	shalt  }
0x7a: {  	_ =	shalt  }
0x7b: {  	_ =	shalt  }
0x7c: {  	_ =	shalt  }
0x7d: {  	_ =	shalt  }
0x7e: {  	_ =	shalt  }
0x7f: {  	_ =	shalt  }
0x80: {  	_ =	shalt  }
0x81: {  	_ =	shalt  }
0x82: {  	_ =	shalt  }
0x83: {  	_ =	shalt  }
0x84: {  	_ =	shalt  }
0x85: {  	_ =	shalt  }
0x86: {  	_ =	shalt  }
0x87: {  	_ =	shalt  }
.Lfunc_end0:
.L_simem_size_0:
called_computation_lowered:
.L_overlay_start_0:
0x88: {  	s0 =	sld [smem:$0x3FD9]  }
0x89: {  	s1 =	sld [smem:$0x3FFE];
	_ =	sdelay $0x1  }
0x8a: {  	s2 =	srdreg.scid  }
0x8b: {  	s3 =	sand.u32 $0x1, s2  }
0x8c: {  	s25 =	sshll.u32 s3, $0xA;
	s0 =	sadd.s32 s1, s0  }
0x8d: {  	s0 =	sadd.s32 s0, s25  }
0x8e: {  	s4 =	simm.s32 $0x0;
	[smem:$0x3FC5] =	sst s0  }
0x8f: {  	[smem:$0xF] =	sst s4  }
0x90: {  	s0 =	sld [smem:$0x3FC8]  }
0x91: {  	s1 =	sld [smem:$0x3FC7];
	(tm) =	ssettm $0x1  }
0x92: {  	s26 =	sld [smem:$0x3FFB];
	_ =	sdelay $0x3  }
0x93: {  	_ =	strace s26  }
0x94: {  	s4 =	sld [smem:$0x3FFC];
	_ =	sdelay $0x3  }
0x95: {  	_ =	strace s4  }
0x96: {  	s4 =	sld [smem:$0x3FFD];
	_ =	sdelay $0x3  }
0x97: {  	_ =	strace s4  }
0x98: {  	s28 =	simm.s32 $0x1B8B;
	_ =	strace $0x8FFFFFFF  }
0x99: {  	_ =	swait.ge [sflag:s28], $0x1  }
0x9a: {  	[sflag:s28] =	ssyncset.done $0x0  }
0x9b: {  	s5 =	simm.s32 $0x1B8E;
	p0 =	seq.s32 s3, $0x1;
	[sflag:s28] =	ssyncadd.s32 $0xFFFFFFFF  }
0x9c: {  	s6 =	simm.s32 @!p0 $0x10;
	[smem:$0x3FD2] =	sst s5  }
0x9d: {  	s29 =	sld [smem:$0x3FFE];
	s5 =	simm.s32 @!p0 $0xB;
	_ =	strace $0x80000046  }
0x9e: {  	[smem:s6], [sflag:s5] =	dma.local @!p0 [hbm:s0], $0x10  }
0x9f: {  	_ =	swait.ge @!p0 [sflag:s5], $0x10  }
0xa0: {  	[sflag:s5] =	ssyncset.done @!p0 $0x0  }
0xa1: {  	[sflag:s5] =	ssyncadd.s32 @!p0 $0xFFFFFFF0  }
0xa2: {  	s0 =	sld @!p0 [smem:$0x10];
	_ =	sdelay $0x3  }
0xa3: {  	s5 =	sshll.u32 @!p0 s0, $0xB;
	s0 =	sshll.u32 @!p0 s0, $0x7  }
0xa4: {  	s5 =	sand.u32 @!p0 $0xFFFFC000, s5;
	s0 =	sand.u32 @!p0 $0x380, s0  }
0xa5: {  	s0 =	sor.u32 @!p0 s0, s5  }
0xa6: {  	s7 =	simm.s32 @!p0 $0x9;
	s8 =	simm.s32 @!p0 $0x0;
	s0 =	sshrl.u32 @!p0 s0, $0x3  }
0xa7: {  	s5 =	simm.s32 @!p0 $0x80;
	s0 =	sadd.s32 @!p0 s1, s0;
	s1 =	simm.s32 @!p0 $0x1  }
0xa8: {  	[spmem:s8@s6], [sflag:s7] =	dma.strided @!p0 [hbm:s0@s5], $0x100, s1, $0x10   }
0xa9: {  	_ =	swait.ge @!p0 [sflag:s7], $0x100  }
0xaa: {  	[sflag:s7] =	ssyncset.done @!p0 $0x0  }
0xab: {  	[sflag:s7] =	ssyncadd.s32 @!p0 $0xFFFFFF00  }
0xac: {  	s4 =	simm.s32 @!p0 $0xA;
	s0 =	sadd.s32 $0x600, s29  }
0xad: {  	[hbm:s0@s5], [sflag:s4] =	dma.strided @!p0 [spmem:s8@s6], $0x100, s1, $0x10   }
0xae: {  	_ =	swait.ge @!p0 [sflag:s4], $0x100  }
0xaf: {  	[sflag:s4] =	ssyncset.done @!p0 $0x0  }
0xb0: {  	[sflag:s4] =	ssyncadd.s32 @!p0 $0xFFFFFF00  }
0xb1: {  	_ =	strace $0x90000046  }
0xb2: {  	_ =	sfence  }
0xb3: {  	s30 =	sld [smem:$0x0];
	_ =	sdelay $0x2  }
0xb4: {  	s31 =	sshll.u32 s2, $0xD;
	s2 =	sshrl.u32 s2, $0x2  }
0xb5: {  	s1 =	sand.u32 $0x4000, s31;
	s0 =	sadd.s32 s2, s30  }
0xb6: {  	s1 =	sor.u32 s1, s3;
	s0 =	sshll.u32 s0, $0x11  }
0xb7: {  	s0 =	sor.u32 s0, s1  }
0xb8: {  	s0 =	sadd.s32 $0x8F2B, s0;
	(pc) =	sbr.abs _section_cstart, $3  }
0xb9: {  	[sflag:s0] =	ssyncadd.remote.s32 $0x1  }
0xba: {  	_ =	strace $0x9FFFFFFF  }
0xbb: {  	(tm) =	ssettm $0x7FFFFFFF  }

</sc_bundles>
